<compile_context>
chip_gen: v7x
topology: tpu7x:2x2x1
jax: 0.10.2.dev20260603
libtpu: 0.0.44.dev20260713+nightly
codegen_flags: <defaults>
</compile_context>

<pallas_src>
import functools

import jax
import jax.numpy as jnp
from jax import lax
from jax.experimental import pallas as pl
from jax.experimental.pallas import tpu as pltpu
from jax.experimental.pallas import tpu_sc as plsc

C = 19
K = 2048
TBL = 2 * C * K
NW = 32
CH = 16384


def _bins_body(x_ref, lbl_ref, out_ref):
    x = x_ref[0]
    lbl = lbl_ref[0]
    m = jnp.max(x, axis=0)
    e = jnp.exp(x - m[None])
    p = e / jnp.sum(e, axis=0)[None]
    cls = lax.broadcasted_iota(jnp.int32, x.shape, 0)
    fg = cls == lbl[None]
    err = jnp.where(fg, 1.0 - p, p)
    b = jnp.minimum((err * K).astype(jnp.int32), K - 1)
    out_ref[0] = jnp.where(fg, C * K, 0) + cls * K + b


def _compute_bins(x, lbl):
    B, Cc, H, W = x.shape
    BH = 64
    grid = (B, H // BH)
    return pl.pallas_call(
        _bins_body,
        grid=grid,
        in_specs=[
            pl.BlockSpec((1, Cc, BH, W), lambda b, h: (b, 0, h, 0)),
            pl.BlockSpec((1, BH, W), lambda b, h: (b, h, 0)),
        ],
        out_specs=pl.BlockSpec((1, Cc, BH, W), lambda b, h: (b, 0, h, 0)),
        out_shape=jax.ShapeDtypeStruct((B, Cc, H, W), jnp.int32),
    )(x, lbl)


def _hist_body(bins_hbm, out_hbm, table, buf, sem):
    cid = lax.axis_index("c")
    sid = lax.axis_index("s")
    wid = sid * 2 + cid
    n_per_tile = bins_hbm.shape[0] // NW
    nch = n_per_tile // CH
    base = wid * n_per_tile

    zero = jnp.zeros((16,), jnp.int32)

    def zbody(i, _):
        table[pl.ds(i * 16, 16)] = zero
        return 0

    lax.fori_loop(0, TBL // 16, zbody, 0, unroll=8)

    def cbody(g, _):
        pltpu.async_copy(
            bins_hbm.at[pl.ds(base + g * CH, CH)], buf, sem
        ).wait()

        ones = jnp.ones((16,), jnp.int32)

        def gbody(j, _):
            idx = buf[pl.ds(j * 16, 16)]
            plsc.addupdate_scatter(table, [idx], ones)
            return 0

        lax.fori_loop(0, CH // 16, gbody, 0)
        return 0

    lax.fori_loop(0, nch, cbody, 0)
    pltpu.sync_copy(table, out_hbm.at[wid])


def _histogram(bins_flat):
    mesh = plsc.VectorSubcoreMesh(core_axis_name="c", subcore_axis_name="s")
    return pl.kernel(
        _hist_body,
        out_type=jax.ShapeDtypeStruct((NW, TBL), jnp.int32),
        mesh=mesh,
        compiler_params=pltpu.CompilerParams(needs_layout_passes=False),
        scratch_types=[
            pltpu.VMEM((TBL,), jnp.int32),
            pltpu.VMEM((CH,), jnp.int32),
            pltpu.SemaphoreType.DMA,
        ],
    )(bins_flat)


def _loss_body(h_ref, out_ref):
    h = h_ref[...].astype(jnp.float32)
    hs = jnp.sum(h, axis=0)
    hf = hs[1]
    ht = hs[0] + hs[1]
    ii = lax.broadcasted_iota(jnp.int32, (K, K), 0)
    jj = lax.broadcasted_iota(jnp.int32, (K, K), 1)
    M = (ii >= jj).astype(jnp.float32)
    F = jnp.dot(hf, M, preferred_element_type=jnp.float32)
    N = jnp.dot(ht, M, preferred_element_type=jnp.float32)
    G = F[:, 0:1]
    U = G + (N - F)
    J = jnp.where(U > 0, 1.0 - (G - F) / U, 0.0)
    losses = (jnp.sum(J, axis=1) - 0.5) * (1.0 / K)
    out_ref[...] = jnp.reshape(jnp.sum(losses) * (1.0 / C), (1, 1))


def _reduce_loss(hist):
    h4 = hist.reshape(NW, 2, C, K)
    return pl.pallas_call(
        _loss_body,
        out_shape=jax.ShapeDtypeStruct((1, 1), jnp.float32),
    )(h4)


def kernel(inputs, targets):
    lbl = targets.astype(jnp.int32)
    bins = _compute_bins(inputs, lbl)
    hist = _histogram(bins.reshape(-1))
    loss = _reduce_loss(hist)
    return loss.reshape(())

# --- scband reference (transcript-rebuilt; emitter-appended) ---
"""Pipeline reference for scband-lovasz-loss-27857157882398 (READ-ONLY COPY).

The authoritative reference and input builder live on the scoring server;
editing this copy changes nothing except your own understanding.
"""

import jax, jax.numpy as jnp
import numpy as np


def lovasz_grad(gt_sorted):
    # gt_sorted: float32[P] of 0/1 ground-truth values sorted by descending error
    gts = jnp.sum(gt_sorted)
    intersection = gts - jnp.cumsum(gt_sorted)
    union = gts + jnp.cumsum(1.0 - gt_sorted)
    jaccard = 1.0 - intersection / union
    # jaccard[1:] = jaccard[1:] - jaccard[:-1]
    jaccard = jnp.concatenate([jaccard[:1], jaccard[1:] - jaccard[:-1]], axis=0)
    return jaccard


def setup_inputs(seed: int = 0) -> dict:
    key = jax.random.key(seed)
    k1, k2 = jax.random.split(key)
    B, C, H, W = 4, 19, 512, 512
    inputs = jax.random.normal(k1, (B, C, H, W), dtype=jnp.float32)
    targets = jax.random.randint(k2, (B, H, W), 0, C).astype(jnp.int64)
    return {"inputs": inputs, "targets": targets}


def reference(inputs, targets):
    # Lovasz-Softmax loss (Berman et al. 2018), per_image=False, classes='all'
    probas = jax.nn.softmax(inputs, axis=1)
    B, C, H, W = probas.shape
    # flatten: [B, C, H, W] -> [B*H*W, C]
    probas_flat = jnp.transpose(probas, (0, 2, 3, 1)).reshape(-1, C)
    labels_flat = targets.reshape(-1)
    losses = []
    for c in range(C):
        fg = (labels_flat == c).astype(probas_flat.dtype)
        errors = jnp.abs(fg - probas_flat[:, c])
        perm = jnp.argsort(-errors)  # descending sort of errors
        errors_sorted = errors[perm]
        fg_sorted = fg[perm]
        grad = lovasz_grad(fg_sorted)
        losses.append(jnp.dot(errors_sorted, grad))
    return jnp.mean(jnp.stack(losses))

if __name__ == "__main__":
    import jax
    _d = setup_inputs()
    print(jax.jit(kernel)(*tuple(_d.values())))

</pallas_src>

<mosaic_0001>
#map = affine_map<(d0, d1) -> (0)>
#map1 = affine_map<(d0, d1) -> (0, 0)>
module attributes {stable_mosaic.version = 14 : i64} {
  func.func @_hist_body(%arg0: i32, %arg1: i32, %arg2: memref<19922944xi32, #tpu.memory_space<hbm>>, %arg3: memref<32x77824xi32, #tpu.memory_space<hbm>>, %arg4: memref<77824xi32, #tpu.memory_space<vmem>>, %arg5: memref<16384xi32, #tpu.memory_space<vmem>>, %arg6: memref<!tpu.dma_semaphore, #tpu.memory_space<semaphore_mem>>) attributes {dimension_semantics = [#tpu.dimension_semantics<core_parallel>, #tpu.dimension_semantics<subcore_parallel>], iteration_bounds = array<i64: 2, 16>, scalar_prefetch = 0 : i64, scratch_operands = 3 : i64, tpu.core_type = #tpu.core_type<sc_vector_subcore>, window_params = [{transform_indices = #map}, {transform_indices = #map1}]} {
    %mul3A = arith.constant 2 : i32
    %mul3A_0 = arith.muli %arg1, %mul3A : i32
    %add3A = arith.addi %mul3A_0, %arg0 : i32
    %mul3A_1 = arith.constant 622592 : i32
    %mul3A_2 = arith.muli %add3A, %mul3A_1 : i32
    %broadcast_in_dim3A = arith.constant 0 : i32
    %broadcast_in_dim3A_3 = vector.broadcast %broadcast_in_dim3A : i32 to vector<16xi32>
    %scan3A = arith.constant 0 : i32
    %scan3A_4 = arith.constant 0 : i32
    %scan3A_5 = arith.constant 4864 : i32
    %scan3A_6 = arith.addi %scan3A_4, %scan3A_5 : i32
    %scan3A_7 = arith.constant 8 : i32
    %scan3A_8 = scf.for %scan3A_17 = %scan3A_4 to %scan3A_6 step %scan3A_7 iter_args(%scan3A_18 = %scan3A) -> (i32)  : i32 {
      %mul3A_19 = arith.constant 16 : i32
      %mul3A_20 = arith.muli %scan3A_17, %mul3A_19 : i32
      %swap3A = arith.index_cast %mul3A_20 : i32 to index
      %swap3A_21 = tpu.vector_load %arg4[%swap3A] {strides = array<i32>} : memref<77824xi32, #tpu.memory_space<vmem>>, vector<16xi32>,
      tpu.vector_store %arg4[%swap3A], %broadcast_in_dim3A_3 {strides = array<i32>} : memref<77824xi32, #tpu.memory_space<vmem>>, vector<16xi32>,
      %scan3A_22 = arith.constant 0 : i32
      %scan3A_23 = arith.constant 1 : i32
      %scan3A_24 = arith.addi %scan3A_17, %scan3A_23 : i32
      %mul3A_25 = arith.constant 16 : i32
      %mul3A_26 = arith.muli %scan3A_24, %mul3A_25 : i32
      %swap3A_27 = arith.index_cast %mul3A_26 : i32 to index
      %swap3A_28 = tpu.vector_load %arg4[%swap3A_27] {strides = array<i32>} : memref<77824xi32, #tpu.memory_space<vmem>>, vector<16xi32>,
      tpu.vector_store %arg4[%swap3A_27], %broadcast_in_dim3A_3 {strides = array<i32>} : memref<77824xi32, #tpu.memory_space<vmem>>, vector<16xi32>,
      %scan3A_29 = arith.constant 0 : i32
      %scan3A_30 = arith.constant 2 : i32
      %scan3A_31 = arith.addi %scan3A_17, %scan3A_30 : i32
      %mul3A_32 = arith.constant 16 : i32
      %mul3A_33 = arith.muli %scan3A_31, %mul3A_32 : i32
      %swap3A_34 = arith.index_cast %mul3A_33 : i32 to index
      %swap3A_35 = tpu.vector_load %arg4[%swap3A_34] {strides = array<i32>} : memref<77824xi32, #tpu.memory_space<vmem>>, vector<16xi32>,
      tpu.vector_store %arg4[%swap3A_34], %broadcast_in_dim3A_3 {strides = array<i32>} : memref<77824xi32, #tpu.memory_space<vmem>>, vector<16xi32>,
      %scan3A_36 = arith.constant 0 : i32
      %scan3A_37 = arith.constant 3 : i32
      %scan3A_38 = arith.addi %scan3A_17, %scan3A_37 : i32
      %mul3A_39 = arith.constant 16 : i32
      %mul3A_40 = arith.muli %scan3A_38, %mul3A_39 : i32
      %swap3A_41 = arith.index_cast %mul3A_40 : i32 to index
      %swap3A_42 = tpu.vector_load %arg4[%swap3A_41] {strides = array<i32>} : memref<77824xi32, #tpu.memory_space<vmem>>, vector<16xi32>,
      tpu.vector_store %arg4[%swap3A_41], %broadcast_in_dim3A_3 {strides = array<i32>} : memref<77824xi32, #tpu.memory_space<vmem>>, vector<16xi32>,
      %scan3A_43 = arith.constant 0 : i32
      %scan3A_44 = arith.constant 4 : i32
      %scan3A_45 = arith.addi %scan3A_17, %scan3A_44 : i32
      %mul3A_46 = arith.constant 16 : i32
      %mul3A_47 = arith.muli %scan3A_45, %mul3A_46 : i32
      %swap3A_48 = arith.index_cast %mul3A_47 : i32 to index
      %swap3A_49 = tpu.vector_load %arg4[%swap3A_48] {strides = array<i32>} : memref<77824xi32, #tpu.memory_space<vmem>>, vector<16xi32>,
      tpu.vector_store %arg4[%swap3A_48], %broadcast_in_dim3A_3 {strides = array<i32>} : memref<77824xi32, #tpu.memory_space<vmem>>, vector<16xi32>,
      %scan3A_50 = arith.constant 0 : i32
      %scan3A_51 = arith.constant 5 : i32
      %scan3A_52 = arith.addi %scan3A_17, %scan3A_51 : i32
      %mul3A_53 = arith.constant 16 : i32
      %mul3A_54 = arith.muli %scan3A_52, %mul3A_53 : i32
      %swap3A_55 = arith.index_cast %mul3A_54 : i32 to index
      %swap3A_56 = tpu.vector_load %arg4[%swap3A_55] {strides = array<i32>} : memref<77824xi32, #tpu.memory_space<vmem>>, vector<16xi32>,
      tpu.vector_store %arg4[%swap3A_55], %broadcast_in_dim3A_3 {strides = array<i32>} : memref<77824xi32, #tpu.memory_space<vmem>>, vector<16xi32>,
      %scan3A_57 = arith.constant 0 : i32
      %scan3A_58 = arith.constant 6 : i32
      %scan3A_59 = arith.addi %scan3A_17, %scan3A_58 : i32
      %mul3A_60 = arith.constant 16 : i32
      %mul3A_61 = arith.muli %scan3A_59, %mul3A_60 : i32
      %swap3A_62 = arith.index_cast %mul3A_61 : i32 to index
      %swap3A_63 = tpu.vector_load %arg4[%swap3A_62] {strides = array<i32>} : memref<77824xi32, #tpu.memory_space<vmem>>, vector<16xi32>,
      tpu.vector_store %arg4[%swap3A_62], %broadcast_in_dim3A_3 {strides = array<i32>} : memref<77824xi32, #tpu.memory_space<vmem>>, vector<16xi32>,
      %scan3A_64 = arith.constant 0 : i32
      %scan3A_65 = arith.constant 7 : i32
      %scan3A_66 = arith.addi %scan3A_17, %scan3A_65 : i32
      %mul3A_67 = arith.constant 16 : i32
      %mul3A_68 = arith.muli %scan3A_66, %mul3A_67 : i32
      %swap3A_69 = arith.index_cast %mul3A_68 : i32 to index
      %swap3A_70 = tpu.vector_load %arg4[%swap3A_69] {strides = array<i32>} : memref<77824xi32, #tpu.memory_space<vmem>>, vector<16xi32>,
      tpu.vector_store %arg4[%swap3A_69], %broadcast_in_dim3A_3 {strides = array<i32>} : memref<77824xi32, #tpu.memory_space<vmem>>, vector<16xi32>,
      %scan3A_71 = arith.constant 0 : i32
      scf.yield %scan3A_71 : i32
    }
    %scan3A_9 = arith.constant 4864 : i32
    %scan3A_10 = arith.constant 0 : i32
    %scan3A_11 = arith.constant 0 : i32
    %scan3A_12 = arith.constant 38 : i32
    %scan3A_13 = arith.addi %scan3A_11, %scan3A_12 : i32
    %scan3A_14 = arith.constant 1 : i32
    %scan3A_15 = scf.for %scan3A_17 = %scan3A_11 to %scan3A_13 step %scan3A_14 iter_args(%scan3A_18 = %scan3A_10) -> (i32)  : i32 {
      %mul3A_19 = arith.constant 16384 : i32
      %mul3A_20 = arith.muli %scan3A_17, %mul3A_19 : i32
      %add3A_21 = arith.addi %mul3A_2, %mul3A_20 : i32
      %dma_start3A = tpu.memref_slice %arg2[%add3A_21] : memref<19922944xi32, #tpu.memory_space<hbm>> -> memref<16384xi32, #tpu.memory_space<hbm>>
      %dma_start3A_22 = tpu.memref_slice %arg2[%add3A_21] : memref<19922944xi32, #tpu.memory_space<hbm>> -> memref<16384xi32, #tpu.memory_space<hbm>>
      tpu.enqueue_dma source(%dma_start3A_22 : memref<16384xi32, #tpu.memory_space<hbm>>) target(%arg5 : memref<16384xi32, #tpu.memory_space<vmem>>) target_semaphore(%arg6 : memref<!tpu.dma_semaphore, #tpu.memory_space<semaphore_mem>>)
      %dma_wait3A = tpu.memref_slice %arg2[%add3A_21] : memref<19922944xi32, #tpu.memory_space<hbm>> -> memref<16384xi32, #tpu.memory_space<hbm>>
      %dma_wait3A_23 = tpu.memref_slice %arg2[%add3A_21] : memref<19922944xi32, #tpu.memory_space<hbm>> -> memref<16384xi32, #tpu.memory_space<hbm>>
      tpu.wait_dma2 semaphore(%arg6 : memref<!tpu.dma_semaphore, #tpu.memory_space<semaphore_mem>>) src(%dma_wait3A_23 : memref<16384xi32, #tpu.memory_space<hbm>>) dst(%arg5 : memref<16384xi32, #tpu.memory_space<vmem>>)
      %broadcast_in_dim3A_24 = arith.constant 1 : i32
      %broadcast_in_dim3A_25 = vector.broadcast %broadcast_in_dim3A_24 : i32 to vector<16xi32>
      %scan3A_26 = arith.constant 0 : i32
      %scan3A_27 = arith.constant 0 : i32
      %scan3A_28 = arith.constant 1024 : i32
      %scan3A_29 = arith.addi %scan3A_27, %scan3A_28 : i32
      %scan3A_30 = arith.constant 1 : i32
      %scan3A_31 = scf.for %scan3A_34 = %scan3A_27 to %scan3A_29 step %scan3A_30 iter_args(%scan3A_35 = %scan3A_26) -> (i32)  : i32 {
        %mul3A_36 = arith.constant 16 : i32
        %mul3A_37 = arith.muli %scan3A_34, %mul3A_36 : i32
        %get3A = arith.index_cast %mul3A_37 : i32 to index
        %get3A_38 = tpu.vector_load %arg5[%get3A] {strides = array<i32>} : memref<16384xi32, #tpu.memory_space<vmem>>, vector<16xi32>,
        tpu.vector_store_idx %arg4[%get3A_38], %broadcast_in_dim3A_25 {add = true} : memref<77824xi32, #tpu.memory_space<vmem>>[vector<16xi32>], vector<16xi32>,
        %scan3A_39 = arith.constant 0 : i32
        scf.yield %scan3A_39 : i32
      }
      %scan3A_32 = arith.constant 1024 : i32
      %scan3A_33 = arith.constant 0 : i32
      scf.yield %scan3A_33 : i32
    }
    %scan3A_16 = arith.constant 38 : i32
    "tpu.region"() ({
      %run_scoped3A = tpu.sem_alloc : memref<!tpu.dma_semaphore, #tpu.memory_space<semaphore_mem>>
      %dma_start3A = arith.constant 0 : i32
      %dma_start3A_17 = tpu.memref_slice %arg3[%add3A, %dma_start3A] : memref<32x77824xi32, #tpu.memory_space<hbm>> -> memref<1x77824xi32, #tpu.memory_space<hbm>>
      %dma_start3A_18 = tpu.memref_squeeze %dma_start3A_17 : memref<1x77824xi32, #tpu.memory_space<hbm>> -> memref<77824xi32, #tpu.memory_space<hbm>>
      %dma_start3A_19 = arith.constant 0 : i32
      %dma_start3A_20 = tpu.memref_slice %arg3[%add3A, %dma_start3A_19] : memref<32x77824xi32, #tpu.memory_space<hbm>> -> memref<1x77824xi32, #tpu.memory_space<hbm>>
      %dma_start3A_21 = tpu.memref_squeeze %dma_start3A_20 : memref<1x77824xi32, #tpu.memory_space<hbm>> -> memref<77824xi32, #tpu.memory_space<hbm>>
      tpu.enqueue_dma source(%arg4 : memref<77824xi32, #tpu.memory_space<vmem>>) target(%dma_start3A_21 : memref<77824xi32, #tpu.memory_space<hbm>>) target_semaphore(%run_scoped3A : memref<!tpu.dma_semaphore, #tpu.memory_space<semaphore_mem>>)
      %dma_wait3A = arith.constant 0 : i32
      %dma_wait3A_22 = tpu.memref_slice %arg3[%add3A, %dma_wait3A] : memref<32x77824xi32, #tpu.memory_space<hbm>> -> memref<1x77824xi32, #tpu.memory_space<hbm>>
      %dma_wait3A_23 = tpu.memref_squeeze %dma_wait3A_22 : memref<1x77824xi32, #tpu.memory_space<hbm>> -> memref<77824xi32, #tpu.memory_space<hbm>>
      %dma_wait3A_24 = arith.constant 0 : i32
      %dma_wait3A_25 = tpu.memref_slice %arg3[%add3A, %dma_wait3A_24] : memref<32x77824xi32, #tpu.memory_space<hbm>> -> memref<1x77824xi32, #tpu.memory_space<hbm>>
      %dma_wait3A_26 = tpu.memref_squeeze %dma_wait3A_25 : memref<1x77824xi32, #tpu.memory_space<hbm>> -> memref<77824xi32, #tpu.memory_space<hbm>>
      tpu.wait_dma2 semaphore(%run_scoped3A : memref<!tpu.dma_semaphore, #tpu.memory_space<semaphore_mem>>) src(%arg4 : memref<77824xi32, #tpu.memory_space<vmem>>) dst(%dma_wait3A_26 : memref<77824xi32, #tpu.memory_space<hbm>>)
      tpu.yield
    }) : () -> ()
    return
  }
}

module attributes {stable_mosaic.version = 14 : i64} {
  func.func @_loss_body(%arg0: memref<32x2x19x2048xi32, #tpu.memory_space<vmem>>, %arg1: memref<1x1xf32, #tpu.memory_space<vmem>>) attributes {dimension_semantics = [], scalar_prefetch = 0 : i64, scratch_operands = 0 : i64, tpu.core_type = #tpu.core_type<tc>} {
    %get3A = arith.constant 0 : index
    %get3A_0 = arith.constant 0 : index
    %get3A_1 = arith.constant 0 : index
    %get3A_2 = arith.constant 0 : index
    %get3A_3 = vector.load %arg0[%get3A, %get3A_0, %get3A_1, %get3A_2] : memref<32x2x19x2048xi32, #tpu.memory_space<vmem>>, vector<32x2x19x2048xi32>
    %convert_element_type3A = arith.sitofp %get3A_3 : vector<32x2x19x2048xi32> to vector<32x2x19x2048xf32>
    %reduce_sum3A = arith.constant dense<0.000000e+00> : vector<2x19x2048xf32>
    %reduce_sum3A_4 = vector.multi_reduction <add>, %convert_element_type3A, %reduce_sum3A [0] : vector<32x2x19x2048xf32> to vector<2x19x2048xf32>
    %slice3A = vector.extract_strided_slice %reduce_sum3A_4 {offsets = [1, 0, 0], sizes = [1, 19, 2048], strides = [1, 1, 1]} : vector<2x19x2048xf32> to vector<1x19x2048xf32>
    %squeeze3A = vector.shape_cast %slice3A : vector<1x19x2048xf32> to vector<19x2048xf32>
    %slice3A_5 = vector.extract_strided_slice %reduce_sum3A_4 {offsets = [0, 0, 0], sizes = [1, 19, 2048], strides = [1, 1, 1]} : vector<2x19x2048xf32> to vector<1x19x2048xf32>
    %squeeze3A_6 = vector.shape_cast %slice3A_5 : vector<1x19x2048xf32> to vector<19x2048xf32>
    %slice3A_7 = vector.extract_strided_slice %reduce_sum3A_4 {offsets = [1, 0, 0], sizes = [1, 19, 2048], strides = [1, 1, 1]} : vector<2x19x2048xf32> to vector<1x19x2048xf32>
    %squeeze3A_8 = vector.shape_cast %slice3A_7 : vector<1x19x2048xf32> to vector<19x2048xf32>
    %add3A = arith.addf %squeeze3A_6, %squeeze3A_8 : vector<19x2048xf32>
    %iota3A = tpu.iota {dimensions = array<i32: 0>} : vector<2048x2048xi32>
    %iota3A_9 = tpu.iota {dimensions = array<i32: 1>} : vector<2048x2048xi32>
    %ge3A = arith.cmpi sge, %iota3A, %iota3A_9 : vector<2048x2048xi32>
    %convert_element_type3A_10 = arith.extui %ge3A : vector<2048x2048xi1> to vector<2048x2048xi32>
    %convert_element_type3A_11 = arith.sitofp %convert_element_type3A_10 : vector<2048x2048xi32> to vector<2048x2048xf32>
    %dot_general3A = arith.constant dense<0.000000e+00> : vector<19x2048xf32>
    %dot_general3A_12 = tpu.matmul %squeeze3A, %convert_element_type3A_11, %dot_general3A {dimension_numbers = #tpu.dot_dimension_numbers<[1], [0], [0], [1], [0, 0, 1, 1], [], []>, transpose_lhs_hint = false} : vector<19x2048xf32>, vector<2048x2048xf32>, vector<19x2048xf32> -> vector<19x2048xf32>
    %dot_general3A_13 = arith.constant dense<0.000000e+00> : vector<19x2048xf32>
    %dot_general3A_14 = tpu.matmul %add3A, %convert_element_type3A_11, %dot_general3A_13 {dimension_numbers = #tpu.dot_dimension_numbers<[1], [0], [0], [1], [0, 0, 1, 1], [], []>, transpose_lhs_hint = false} : vector<19x2048xf32>, vector<2048x2048xf32>, vector<19x2048xf32> -> vector<19x2048xf32>
    %slice3A_15 = vector.extract_strided_slice %dot_general3A_12 {offsets = [0, 0], sizes = [19, 1], strides = [1, 1]} : vector<19x2048xf32> to vector<19x1xf32>
    %sub3A = arith.subf %dot_general3A_14, %dot_general3A_12 : vector<19x2048xf32>
    %add3A_16 = vector.broadcast %slice3A_15 : vector<19x1xf32> to vector<19x2048xf32>
    %add3A_17 = arith.addf %add3A_16, %sub3A : vector<19x2048xf32>
    %gt3A = arith.constant 0.000000e+00 : f32
    %gt3A_18 = vector.broadcast %gt3A : f32 to vector<19x2048xf32>
    %gt3A_19 = arith.cmpf ogt, %add3A_17, %gt3A_18 : vector<19x2048xf32>
    %sub3A_20 = vector.broadcast %slice3A_15 : vector<19x1xf32> to vector<19x2048xf32>
    %sub3A_21 = arith.subf %sub3A_20, %dot_general3A_12 : vector<19x2048xf32>
    %div3A = arith.divf %sub3A_21, %add3A_17 : vector<19x2048xf32>
    %sub3A_22 = arith.constant 1.000000e+00 : f32
    %sub3A_23 = vector.broadcast %sub3A_22 : f32 to vector<19x2048xf32>
    %sub3A_24 = arith.subf %sub3A_23, %div3A : vector<19x2048xf32>
    %jit3A = arith.constant 0.000000e+00 : f32
    %broadcast_in_dim3A = vector.broadcast %jit3A : f32 to vector<19x2048xf32>
    %select_n3A = arith.select %gt3A_19, %sub3A_24, %broadcast_in_dim3A : vector<19x2048xi1>, vector<19x2048xf32>
    %reduce_sum3A_25 = arith.constant dense<0.000000e+00> : vector<19xf32>
    %reduce_sum3A_26 = vector.multi_reduction <add>, %select_n3A, %reduce_sum3A_25 [1] : vector<19x2048xf32> to vector<19xf32>
    %sub3A_27 = arith.constant 5.000000e-01 : f32
    %sub3A_28 = vector.broadcast %sub3A_27 : f32 to vector<19xf32>
    %sub3A_29 = arith.subf %reduce_sum3A_26, %sub3A_28 : vector<19xf32>
    %mul3A = arith.constant 4.8828125E-4 : f32
    %mul3A_30 = vector.broadcast %mul3A : f32 to vector<19xf32>
    %mul3A_31 = arith.mulf %sub3A_29, %mul3A_30 : vector<19xf32>
    %reduce_sum3A_32 = vector.shape_cast %mul3A_31 : vector<19xf32> to vector<1x19xf32>
    %reduce_sum3A_33 = arith.constant dense<0.000000e+00> : vector<1xf32>
    %reduce_sum3A_34 = vector.multi_reduction <add>, %reduce_sum3A_32, %reduce_sum3A_33 [1] : vector<1x19xf32> to vector<1xf32>
    %reduce_sum3A_35 = vector.shape_cast %reduce_sum3A_34 : vector<1xf32> to vector<1x1xf32>
    %reduce_sum3A_36 = vector.extract %reduce_sum3A_35[0, 0] : f32 from vector<1x1xf32>
    %mul3A_37 = arith.constant 0.0526315793 : f32
    %mul3A_38 = arith.mulf %reduce_sum3A_36, %mul3A_37 : f32
    %reshape3A = vector.broadcast %mul3A_38 : f32 to vector<1x1xf32>
    %swap3A = arith.constant 0 : index
    %swap3A_39 = arith.constant 0 : index
    %swap3A_40 = vector.load %arg1[%swap3A, %swap3A_39] : memref<1x1xf32, #tpu.memory_space<vmem>>, vector<1x1xf32>
    tpu.vector_store %arg1[%swap3A, %swap3A_39], %reshape3A {strides = array<i32>} : memref<1x1xf32, #tpu.memory_space<vmem>>, vector<1x1xf32>,
    return
  }
}

module attributes {stable_mosaic.version = 14 : i64} {
  func.func @_bins_body(%arg0: i32, %arg1: i32, %arg2: memref<1x19x64x512xf32, #tpu.memory_space<vmem>>, %arg3: memref<1x64x512xi32, #tpu.memory_space<vmem>>, %arg4: memref<1x19x64x512xi32, #tpu.memory_space<vmem>>) attributes {dimension_semantics = [#tpu.dimension_semantics<arbitrary>, #tpu.dimension_semantics<arbitrary>], iteration_bounds = array<i64: 4, 8>, scalar_prefetch = 0 : i64, scratch_operands = 0 : i64, tpu.core_type = #tpu.core_type<tc>, window_params = [{transform_indices = @transform_0, window_bounds = array<i64: 1, 19, 64, 512>}, {transform_indices = @transform_1, window_bounds = array<i64: 1, 64, 512>}, {transform_indices = @transform_2, window_bounds = array<i64: 1, 19, 64, 512>}]} {
    %get3A = arith.constant 0 : index
    %get3A_0 = arith.constant 0 : index
    %get3A_1 = arith.constant 0 : index
    %get3A_2 = arith.constant 0 : index
    %get3A_3 = vector.load %arg2[%get3A, %get3A_0, %get3A_1, %get3A_2] : memref<1x19x64x512xf32, #tpu.memory_space<vmem>>, vector<1x19x64x512xf32>
    %get3A_4 = vector.shape_cast %get3A_3 : vector<1x19x64x512xf32> to vector<19x64x512xf32>
    %get3A_5 = arith.constant 0 : index
    %get3A_6 = arith.constant 0 : index
    %get3A_7 = arith.constant 0 : index
    %get3A_8 = vector.load %arg3[%get3A_5, %get3A_6, %get3A_7] : memref<1x64x512xi32, #tpu.memory_space<vmem>>, vector<1x64x512xi32>
    %get3A_9 = vector.shape_cast %get3A_8 : vector<1x64x512xi32> to vector<64x512xi32>
    %reduce_max3A = arith.constant dense<0xFF800000> : vector<64x512xf32>
    %reduce_max3A_10 = vector.multi_reduction <maximumf>, %get3A_4, %reduce_max3A [0] : vector<19x64x512xf32> to vector<64x512xf32>
    %broadcast_in_dim3A = vector.shape_cast %reduce_max3A_10 : vector<64x512xf32> to vector<1x64x512xf32>
    %sub3A = vector.broadcast %broadcast_in_dim3A : vector<1x64x512xf32> to vector<19x64x512xf32>
    %sub3A_11 = arith.subf %get3A_4, %sub3A : vector<19x64x512xf32>
    %exp3A = math.exp %sub3A_11 : vector<19x64x512xf32>
    %reduce_sum3A = arith.constant dense<0.000000e+00> : vector<64x512xf32>
    %reduce_sum3A_12 = vector.multi_reduction <add>, %exp3A, %reduce_sum3A [0] : vector<19x64x512xf32> to vector<64x512xf32>
    %broadcast_in_dim3A_13 = vector.shape_cast %reduce_sum3A_12 : vector<64x512xf32> to vector<1x64x512xf32>
    %div3A = vector.broadcast %broadcast_in_dim3A_13 : vector<1x64x512xf32> to vector<19x64x512xf32>
    %div3A_14 = arith.divf %exp3A, %div3A : vector<19x64x512xf32>
    %iota3A = tpu.iota {dimensions = array<i32: 0>} : vector<19x64x512xi32>
    %broadcast_in_dim3A_15 = vector.shape_cast %get3A_9 : vector<64x512xi32> to vector<1x64x512xi32>
    %eq3A = vector.broadcast %broadcast_in_dim3A_15 : vector<1x64x512xi32> to vector<19x64x512xi32>
    %eq3A_16 = arith.cmpi eq, %iota3A, %eq3A : vector<19x64x512xi32>
    %sub3A_17 = arith.constant 1.000000e+00 : f32
    %sub3A_18 = vector.broadcast %sub3A_17 : f32 to vector<19x64x512xf32>
    %sub3A_19 = arith.subf %sub3A_18, %div3A_14 : vector<19x64x512xf32>
    %select_n3A = arith.select %eq3A_16, %sub3A_19, %div3A_14 : vector<19x64x512xi1>, vector<19x64x512xf32>
    %mul3A = arith.constant 2.048000e+03 : f32
    %mul3A_20 = vector.broadcast %mul3A : f32 to vector<19x64x512xf32>
    %mul3A_21 = arith.mulf %select_n3A, %mul3A_20 : vector<19x64x512xf32>
    %convert_element_type3A = arith.fptosi %mul3A_21 : vector<19x64x512xf32> to vector<19x64x512xi32>
    %min3A = arith.constant 2047 : i32
    %min3A_22 = vector.broadcast %min3A : i32 to vector<19x64x512xi32>
    %min3A_23 = arith.minsi %convert_element_type3A, %min3A_22 : vector<19x64x512xi32>
    %jit3A = arith.constant 38912 : i32
    %jit3A_24 = arith.constant 0 : i32
    %broadcast_in_dim3A_25 = vector.broadcast %jit3A : i32 to vector<19x64x512xi32>
    %broadcast_in_dim3A_26 = vector.broadcast %jit3A_24 : i32 to vector<19x64x512xi32>
    %select_n3A_27 = arith.select %eq3A_16, %broadcast_in_dim3A_25, %broadcast_in_dim3A_26 : vector<19x64x512xi1>, vector<19x64x512xi32>
    %mul3A_28 = arith.constant 2048 : i32
    %mul3A_29 = vector.broadcast %mul3A_28 : i32 to vector<19x64x512xi32>
    %mul3A_30 = arith.muli %iota3A, %mul3A_29 : vector<19x64x512xi32>
    %add3A = arith.addi %select_n3A_27, %mul3A_30 : vector<19x64x512xi32>
    %add3A_31 = arith.addi %add3A, %min3A_23 : vector<19x64x512xi32>
    %swap3A = arith.constant 0 : index
    %swap3A_32 = arith.constant 0 : index
    %swap3A_33 = arith.constant 0 : index
    %swap3A_34 = arith.constant 0 : index
    %swap3A_35 = vector.load %arg4[%swap3A, %swap3A_32, %swap3A_33, %swap3A_34] : memref<1x19x64x512xi32, #tpu.memory_space<vmem>>, vector<1x19x64x512xi32>
    %swap3A_36 = vector.shape_cast %swap3A_35 : vector<1x19x64x512xi32> to vector<19x64x512xi32>
    %swap3A_37 = vector.shape_cast %add3A_31 : vector<19x64x512xi32> to vector<1x19x64x512xi32>
    tpu.vector_store %arg4[%swap3A, %swap3A_32, %swap3A_33, %swap3A_34], %swap3A_37 {strides = array<i32>} : memref<1x19x64x512xi32, #tpu.memory_space<vmem>>, vector<1x19x64x512xi32>,
    return
  }
  func.func @transform_0(%arg0: i32, %arg1: i32) -> (i32, i32, i32, i32) {
    %c0_i32 = arith.constant 0 : i32
    %c0_i32_0 = arith.constant 0 : i32
    %c0_i32_1 = arith.constant 0 : i32
    return %arg0, %c0_i32, %arg1, %c0_i32_0 : i32, i32, i32, i32
  }
  func.func @transform_1(%arg0: i32, %arg1: i32) -> (i32, i32, i32) {
    %c0_i32 = arith.constant 0 : i32
    %c0_i32_0 = arith.constant 0 : i32
    return %arg0, %arg1, %c0_i32 : i32, i32, i32
  }
  func.func @transform_2(%arg0: i32, %arg1: i32) -> (i32, i32, i32, i32) {
    %c0_i32 = arith.constant 0 : i32
    %c0_i32_0 = arith.constant 0 : i32
    %c0_i32_1 = arith.constant 0 : i32
    return %arg0, %c0_i32, %arg1, %c0_i32_0 : i32, i32, i32, i32
  }
}

</mosaic_0001>

<sc_bundles>
// kernel: kernel.5.cloned.1.call-start
scs
__scs_entry_jumppad:
0x0: {  	(pc) =	sbr.rel $0x88, $3  }
0x1: {  	(tag) =	ssettag $0x0;
	lr =	simm.s32 $0x1  }
0x2: {  	[smem:$0x3F9F] =	sst lr;
	_ =	strace $0xD0000000  }
0x3: {  	_ = 	snop  }
0x4: {  	_ = 	snop  }
0x5: {  	_ = 	snop  }
0x6: {  	_ = 	snop  }
0x7: {  	_ = 	snop  }
__scs_overlays_trampoline_lowered:
0x8: {  	[smem:$0x3FAE] =	sst s0  }
0x9: {  	[smem:$0x3FAF] =	sst s1  }
0xa: {  	[smem:$0x3FB0] =	sst s2  }
0xb: {  	[smem:$0x3FB1] =	sst s3  }
0xc: {  	[smem:$0x3FB2] =	sst s4  }
0xd: {  	[smem:$0x3FB3] =	sst s5  }
0xe: {  	[smem:$0x3FB4] =	sst s6  }
0xf: {  	[smem:$0x3FB5] =	sst s7  }
0x10: {  	[smem:$0x3FB6] =	sst s8  }
0x11: {  	[smem:$0x3FB7] =	sst s9;
	s0 =	simm.s32 @!p0 $0x0  }
0x12: {  	s1 =	sld [smem:$0x3F9D];
	s0 =	simm.s32 @p0 $0x1  }
0x13: {  	[smem:$0x3FB8] =	sst s0;
	s0 =	simm.s32 @!p1 $0x0  }
0x14: {  	s2 =	sld [smem:$0x3F9C];
	s0 =	simm.s32 @p1 $0x1  }
0x15: {  	[smem:$0x3FB9] =	sst s0;
	s0 =	simm.s32 @!p2 $0x0  }
0x16: {  	s3 =	sld [smem:$0x3FDB];
	s0 =	simm.s32 @p2 $0x1  }
0x17: {  	s4 =	simm.s32 $0x1BF5;
	[smem:$0x3FBB] =	sst s0  }
0x18: {  	s0 =	sld [smem:$0x3F9E];
	_ =	swait.ge [sflag:s4], $0x0  }
0x19: {  	s7 =	sld [smem:$0x3F9F]  }
0x1a: {  	s8 =	sadd.s32 $0xFFFFE003, lr  }
0x1b: {  	s9 =	sadd.s32 $0xFFFFFEF7, lr;
	s5 =	simm.s32 $0xFFFFFFFF;
	p2 =	slt.u32 s8, $0xFFFFF086  }
0x1c: {  	p1 =	slt.u32 s9, $0xF7A;
	s5 =	simm.s32 @!p2 $0x0  }
0x1d: {  	s5 =	simm.s32 @p1 $0x1;
	p0 =	seq.s32 s7, s2  }
0x1e: {  	s7 =	smul.u32 @!p0 $0xF7A, s2;
	p2 =	seq.s32 @!p0 s5, $0x0  }
0x1f: {  	s9 =	smul.u32 $0xF7A, s1;
	s8 =	simm.s32 @!p0 $0x1BF5;
	p2 =	por !p2, p0  }
0x20: {  	[sflag:s8] =	ssyncset.s32 @!p0 $0xFFFFF086;
	s6 =	sadd.s32 @!p0 s3, s7;
	s7 =	simm.s32 @!p0 $0x108  }
0x21: {  	s3 =	sadd.s32 s3, s9;
	s6 =	sadd.s32 @!p0 $0x88, s6;
	s7 =	simm.s32 @p2 $0x1082  }
0x22: {  	[simem:s7], [sflag:s8] =	dma.local @!p0 [hbm:s6], $0xF7A  }
0x23: {  	s9 =	sor.u32 $0xD0000000, s2;
	s6 =	simm.s32 $0x108;
	_ =	swait.ge @!p0 [sflag:s8], $0x0  }
0x24: {  	s3 =	sadd.s32 $0x88, s3;
	s6 =	simm.s32 @!p1 $0x1082;
	[sflag:s4] =	ssyncset.s32 $0xFFFFF086  }
0x25: {  	[simem:s6], [sflag:s4] =	dma.local [hbm:s3], $0xF7A  }
0x26: {  	[smem:$0x3F9F] =	sst s1;
	(tag) =	ssettag s2;
	_ =	strace s9  }
0x27: {  	s1 =	sld [smem:$0x3FAF]  }
0x28: {  	s2 =	sld [smem:$0x3FB0]  }
0x29: {  	s4 =	sld [smem:$0x3FB2]  }
0x2a: {  	p0 =	seq.s32 s5, $0x0;
	s5 =	sld [smem:$0x3FB3]  }
0x2b: {  	s6 =	sld [smem:$0x3FB4]  }
0x2c: {  	s7 =	sld [smem:$0x3FB5]  }
0x2d: {  	s3 =	simm.s32 $0x108;
	s8 =	sld [smem:$0x3FB6]  }
0x2e: {  	s3 =	simm.s32 @!p0 $0x1082;
	s9 =	sld [smem:$0x3FB7]  }
0x2f: {  	lr =	sadd.s32 s0, s3;
	s0 =	sld [smem:$0x3FAE]  }
0x30: {  	s3 =	sld [smem:$0x3FB1]  }
0x31: {  	[smem:$0x3FBA] =	sst s10  }
0x32: {  	s10 =	sld [smem:$0x3FB8];
	_ =	sdelay $0x3  }
0x33: {  	p0 =	seq.s32 s10, $0x1;
	s10 =	sld [smem:$0x3FBA];
	_ =	sdelay $0x3  }
0x34: {  	[smem:$0x3FBA] =	sst s10  }
0x35: {  	s10 =	sld [smem:$0x3FB9];
	_ =	sdelay $0x3  }
0x36: {  	p1 =	seq.s32 s10, $0x1;
	s10 =	sld [smem:$0x3FBA];
	_ =	sdelay $0x3  }
0x37: {  	[smem:$0x3FBA] =	sst s10  }
0x38: {  	s10 =	sld [smem:$0x3FBB]  }
0x39: {  	_ = 	snop;
	(pc) =	sbr.ind lr, $3  }
0x3a: {  	_ = 	snop  }
0x3b: {  	_ = 	snop  }
0x3c: {  	p2 =	seq.s32 s10, $0x1;
	s10 =	sld [smem:$0x3FBA]  }
0x3d: {  	_ =	shalt  }
0x3e: {  	_ =	shalt  }
0x3f: {  	_ =	shalt  }
0x40: {  	_ =	shalt  }
0x41: {  	_ =	shalt  }
0x42: {  	_ =	shalt  }
0x43: {  	_ =	shalt  }
0x44: {  	_ =	shalt  }
0x45: {  	_ =	shalt  }
0x46: {  	_ =	shalt  }
0x47: {  	_ =	shalt  }
0x48: {  	_ =	shalt  }
0x49: {  	_ =	shalt  }
0x4a: {  	_ =	shalt  }
0x4b: {  	_ =	shalt  }
0x4c: {  	_ =	shalt  }
0x4d: {  	_ =	shalt  }
0x4e: {  	_ =	shalt  }
0x4f: {  	_ =	shalt  }
0x50: {  	_ =	shalt  }
0x51: {  	_ =	shalt  }
0x52: {  	_ =	shalt  }
0x53: {  	_ =	shalt  }
0x54: {  	_ =	shalt  }
0x55: {  	_ =	shalt  }
0x56: {  	_ =	shalt  }
0x57: {  	_ =	shalt  }
0x58: {  	_ =	shalt  }
0x59: {  	_ =	shalt  }
0x5a: {  	_ =	shalt  }
0x5b: {  	_ =	shalt  }
0x5c: {  	_ =	shalt  }
0x5d: {  	_ =	shalt  }
0x5e: {  	_ =	shalt  }
0x5f: {  	_ =	shalt  }
0x60: {  	_ =	shalt  }
0x61: {  	_ =	shalt  }
0x62: {  	_ =	shalt  }
0x63: {  	_ =	shalt  }
0x64: {  	_ =	shalt  }
0x65: {  	_ =	shalt  }
0x66: {  	_ =	shalt  }
0x67: {  	_ =	shalt  }
0x68: {  	_ =	shalt  }
0x69: {  	_ =	shalt  }
0x6a: {  	_ =	shalt  }
0x6b: {  	_ =	shalt  }
0x6c: {  	_ =	shalt  }
0x6d: {  	_ =	shalt  }
0x6e: {  	_ =	shalt  }
0x6f: {  	_ =	shalt  }
0x70: {  	_ =	shalt  }
0x71: {  	_ =	shalt  }
0x72: {  	_ =	shalt  }
0x73: {  	_ =	shalt  }
0x74: {  	_ =	shalt  }
0x75: {  	_ =	shalt  }
0x76: {  	_ =	shalt  }
0x77: {  	_ =	shalt  }
0x78: {  	_ =	shalt  }
0x79: {  	_ =	shalt  }
0x7a: {  	_ =	shalt  }
0x7b: {  	_ =	shalt  }
0x7c: {  	_ =	shalt  }
0x7d: {  	_ =	shalt  }
0x7e: {  	_ =	shalt  }
0x7f: {  	_ =	shalt  }
0x80: {  	_ =	shalt  }
0x81: {  	_ =	shalt  }
0x82: {  	_ =	shalt  }
0x83: {  	_ =	shalt  }
0x84: {  	_ =	shalt  }
0x85: {  	_ =	shalt  }
0x86: {  	_ =	shalt  }
0x87: {  	_ =	shalt  }
.Lfunc_end0:
.L_simem_size_0:
called_computation.1_lowered:
.L_overlay_start_0:
0x88: {  	s2 =	sld [smem:$0x3FD9]  }
0x89: {  	s3 =	sld [smem:$0x3FFE];
	_ =	sdelay $0x1  }
0x8a: {  	s1 =	srdreg.scid  }
0x8b: {  	s0 =	sand.u32 $0x1, s1  }
0x8c: {  	s16 =	sshll.u32 s0, $0xA;
	s2 =	sadd.s32 s3, s2  }
0x8d: {  	s2 =	sadd.s32 s2, s16  }
0x8e: {  	[smem:$0x3FC6] =	sst s2  }
0x8f: {  	_ = 	snop  }
0x90: {  	(tm) =	ssettm $0x1  }
0x91: {  	s17 =	sld [smem:$0x3FFB];
	_ =	sdelay $0x3  }
0x92: {  	_ =	strace s17  }
0x93: {  	s2 =	sld [smem:$0x3FFC];
	_ =	sdelay $0x3  }
0x94: {  	_ =	strace s2  }
0x95: {  	s2 =	sld [smem:$0x3FFD];
	_ =	sdelay $0x3  }
0x96: {  	_ =	strace s2  }
0x97: {  	_ =	strace $0x8FFFFFFF  }
0x98: {  	s18 =	sld [smem:$0x3FDB];
	_ =	sdelay $0x1  }
0x99: {  	s19 =	simm.s32 $_scs_section_size  }
0x9a: {  	s4 =	simm.s32 $_size__tile_overlayer_lowered;
	s5 =	simm.s32 $_tile_overlayer_lowered  }
0x9b: {  	s22 =	simm.s32 $0x1BFF;
	s21 =	sshll.u32 s5, $0x1;
	s2 =	sadd.s32 s19, s18  }
0x9c: {  	s6 =	simm.s32 $0x0;
	s20 =	sshll.u32 s4, $0x1;
	s4 =	sadd.s32 s21, s2  }
0x9d: {  	[timem:s6], [sflag:s22] =	dma.local [hbm:s4], s20  }
0x9e: {  	_ =	swait.ge [sflag:s22], s20  }
0x9f: {  	s3 =	ssub.s32 $0x0, s20;
	[sflag:s22] =	ssyncset.done $0x0  }
0xa0: {  	[sflag:s22] =	ssyncadd.s32 s3;
	_ =	sdelay $0x1  }
0xa1: {  	s23 =	simm.s32 $0x1B8B  }
0xa2: {  	_ =	swait.ge [sflag:s23], $0x1  }
0xa3: {  	[sflag:s23] =	ssyncset.done $0x0  }
0xa4: {  	s25 =	simm.s32 $0x1B8E;
	s24 =	sld [smem:$0x3FFE];
	[sflag:s23] =	ssyncadd.s32 $0xFFFFFFFF  }
0xa5: {  	s26 =	simm.s32 $execute0_lowered;
	[smem:$0x3FD2] =	sst s25  }
0xa6: {  	s4 =	sshll.u32 s26, $0x1;
	_ =	strace $0x80000049;
	[dreg:$0x1] =	wrdreg $0xFFFFFFFF  }
0xa7: {  	s28 =	simm.s32 $_size_execute0_lowered;
	s2 =	sadd.s32 s2, s4;
	[dreg:$0x0] =	wrdreg $0x0  }
0xa8: {  	s4 =	sshll.u32 s28, $0x1;
	[dreg:$0x2] =	wrdreg s2  }
0xa9: {  	[dreg:$0x3] =	wrdreg s4  }
0xaa: {  	[dreg:$0x4] =	wrdreg $0xC0  }
0xab: {  	_ =	task [dreg:s6], $0x5FFFF  }
0xac: {  	[dreg:$0x1] =	wrdreg $0xFFFFFFFF  }
0xad: {  	[dreg:$0x0] =	wrdreg $0x60  }
0xae: {  	[dreg:$0x2] =	wrdreg s24  }
0xaf: {  	[dreg:$0x3] =	wrdreg $0x9  }
0xb0: {  	_ =	task.clear_ibuf [dreg:s6], $0x4FFFF;
	_ =	strace $0x90000049  }
0xb1: {  	s29 =	simm.s32 $0x9;
	_ =	strace $0x8000004B  }
0xb2: {  	_ =	swait.ge [sflag:s29], $0x1  }
0xb3: {  	[sflag:s29] =	ssyncadd.s32 $0xFFFFFFFF  }
0xb4: {  	_ =	strace $0x9000004B  }
0xb5: {  	_ =	sfence  }
0xb6: {  	s30 =	sld [smem:$0x0];
	_ =	sdelay $0x2  }
0xb7: {  	s31 =	sshll.u32 s1, $0xD;
	s1 =	sshrl.u32 s1, $0x2  }
0xb8: {  	s3 =	sand.u32 $0x4000, s31;
	s1 =	sadd.s32 s1, s30  }
0xb9: {  	s0 =	sor.u32 s3, s0;
	s1 =	sshll.u32 s1, $0x11  }
0xba: {  	s0 =	sor.u32 s1, s0  }
0xbb: {  	s0 =	sadd.s32 $0x8F2B, s0  }
0xbc: {  	[sflag:s0] =	ssyncadd.remote.s32 $0x1  }
0xbd: {  	_ =	sfence.sel $0xFFFF  }
0xbe: {  	[dreg:$0x0] =	wrdreg $0xFFFFFFFF;
	(pc) =	sbr.abs _section_cstart, $3  }
0xbf: {  	[dreg:$0x1] =	wrdreg $0xFFFFFFFF  }
0xc0: {  	_ =	task.clear_ibuf [dreg:s6], $0x2FFFF;
	_ =	strace $0x9FFFFFFF  }
0xc1: {  	(tm) =	ssettm $0x7FFFFFFF  }
tec
execute0_lowered:
.L_overlay_start_1:
0x0: {  	(tag) =	ssettag $0x1  }
0x1: {  	s1 =	srdreg.scid  }
0x2: {  	s0 =	stileid.u32;
	s5 =	rddreg [dreg:$0x0]  }
0x3: {  	s2 =	simm.s32 $0x0;
	s9 =	simm.s32 $0x80;
	s10 =	simm.s32 $0x400  }
0x4: {  	s11 =	simm.s32 $0x2;
	s3 =	sand.u32 $0x1, s1;
	s28 =	sshll.u32 s0, $0x1  }
0x5: {  	s12 =	simm.s32 $0x0;
	s29 =	sshrl.u32 s0, $0x2;
	s4 =	sor.u32 s3, s28  }
0x6: {  	s1 =	rddreg [dreg:$0x1];
	s6 =	smul.u32 $0x98000, s29;
	s7 =	sshll.u32 s4, $0x7  }
0x7: {  	[smem:$0x7FF] =	sst s2;
	s30 =	ssub.s32 $0x2, s3;
	s7 =	sand.u32 $0x380, s7  }
0x8: {  	_ =	strace $0x8000004A;
	s3 =	sadd.s32 $0x260A00, s5;
	s6 =	sor.u32 s6, s7  }
0x9: {  	s8 =	sshrl.u32 s30, $0x1;
	s4 =	smul.u32 $0x98000, s4;
	s6 =	sshrl.u32 s6, $0x3  }
0xa: {  	s31 =	ssub.s32 s30, s8;
	s8 =	simm.s32 $0x1;
	s5 =	sadd.s32 s6, s5  }
0xb: {  	v0 =	vimm.s32 $0x0;
	v1 =	vimm.s32 $0x1;
	s7 =	simm.s32 $0x13000;
	s6 =	smax.u32 s31, $0x1;
	s5 =	sadd.s32 $0xA00, s5  }
.LBB2_1:
0xc: {  	s13 =	simm.s32 $0x40  }
0xd: {  	[tilespmem:s13+$0xFFFFFFC0] =	vst v0  }
0xe: {  	[tilespmem:s13+$0x30] =	vst v0  }
0xf: {  	[tilespmem:s13+$0x20] =	vst v0  }
0x10: {  	[tilespmem:s13+$0x10] =	vst v0  }
0x11: {  	[tilespmem:s13+$0x0] =	vst v0  }
0x12: {  	[tilespmem:s13+$0xFFFFFFF0] =	vst v0  }
0x13: {  	s14 =	simm.s32 $0x0;
	[tilespmem:s13+$0xFFFFFFE0] =	vst v0  }
.LBB2_2:
0x14: {  	s14 =	sadd.s32 $0x8, s14;
	[tilespmem:s13+$0xFFFFFFD0] =	vst v0;
	s13 =	sadd.s32 $0x80, s13  }
0x15: {  	[tilespmem:s13+$0xFFFFFFC0] =	vst v0;
	p0 =	slt.u32 s14, $0x12F8  }
0x16: {  	[tilespmem:s13+$0x30] =	vst v0  }
.Ltmp0:
0x17: {  	[tilespmem:s13+$0x20] =	vst v0;
	(pc) =	sbr.rel @p0 .LBB2_2-.Ltmp0, $4  }
0x18: {  	[tilespmem:s13+$0x10] =	vst v0  }
0x19: {  	[tilespmem:s13+$0x0] =	vst v0  }
0x1a: {  	[tilespmem:s13+$0xFFFFFFF0] =	vst v0  }
0x1b: {  	[tilespmem:s13+$0xFFFFFFE0] =	vst v0  }
0x1c: {  	[tilespmem:s13+$0xFFFFFFD0] =	vst v0;
	s13 =	simm.s32 $0x0;
	s14 =	simm.s32 $0x0  }
.LBB2_4:
0x1d: {  	s15 =	sshll.u32 s14, $0xE  }
0x1e: {  	s15 =	sadd.s32 s4, s15  }
0x1f: {  	s15 =	sshrl.u32 s15, $0x3  }
0x20: {  	s15 =	sadd.s32 s3, s15  }
0x21: {  	[tilespmem:s7], [sflag:$0x1] =	stream.linear.gather [hbm4b:s15+s13], $0x4000, $0x38;
	[tilespmem:$0x17000] =	vst v63  }
0x22: {  	_ =	swait.ge [sflag:s8], $0x4000  }
0x23: {  	[sflag:s8] =	ssyncset.done $0x0  }
0x24: {  	s16 =	simm.s32 $0x0;
	s15 =	simm.s32 $0x40;
	[sflag:s8] =	ssyncadd.s32 $0xFFFFC000  }
.LBB2_5:
0x25: {  	p0 =	sne.s32 s15, $0xFFC0;
	v2 =	vld [tilespmem:s16+$0x13000];
	_ =	sdelay $0x3  }
.Ltmp1:
0x26: {  	(pc) =	sbr.rel @p0 .LBB2_5-.Ltmp1, $2  }
0x27: {  	_ =	sdelay $0x2  }
0x28: {  	s16 =	sshra.s32 s15, $0x2;
	s15 =	sadd.s32 $0x40, s15;
	[tilespmem:v2+s2+$0x0] =	vst.idx.add.s32.msk $0xffff, v1  }
0x29: {  	v2 =	vld [tilespmem:s16+$0x13000];
	_ =	sdelay $0x1  }
0x2a: {  	s14 =	sadd.s32 $0x1, s14  }
0x2b: {  	p0 =	sne.s32 s14, $0x26  }
.Ltmp2:
0x2c: {  	_ = 	snop;
	(pc) =	sbr.rel @p0 .LBB2_4-.Ltmp2, $2  }
0x2d: {  	_ =	sdelay $0x2  }
0x2e: {  	[tilespmem:v2+s2+$0x0] =	vst.idx.add.s32.msk $0xffff, v1  }
0x2f: {  	s12 =	sadd.s32 $0x1, s12  }
0x30: {  	p0 =	sne.s32 s12, s6  }
.Ltmp3:
0x31: {  	_ = 	snop;
	(pc) =	sbr.rel @p0 .LBB2_1-.Ltmp3, $4  }
0x32: {  	[hbm4b:s5+s9] =	stream.strided.scatter [tilespmem:s2], [sflag:$0x2], $0x13000, s10, s9, $0x38;
	[tilespmem:$0x17000] =	vst v63  }
0x33: {  	_ =	swait.ge [sflag:s11], $0x13000  }
0x34: {  	[sflag:s11] =	ssyncset.done $0x0  }
0x35: {  	[sflag:s11] =	ssyncadd.s32 $0xFFFED000  }
0x36: {  	_ =	sfence.sel $0x180000  }
0x37: {  	[bflag:$0x0] =	sbarrier.arrive $0xFFFF  }
0x38: {  	p0 =	sne.s32 s0, $0x0;
	_ =	strace $0x9000004A  }
0x39: {  	s0 =	sadd.s32 @!p0 $0x100000, s1;
	[bflag:$0x2] =	sbarrier.arrive $0xFFFF  }
0x3a: {  	[sflag:s0] =	ssyncadd.tile.s32 @!p0 $0x1;
	_ =	shalt  }
.Lfunc_end2:
_tile_overlayer_lowered:
.L_overlay_start_2:
0x3b: {  	(tag) =	ssettag $0x2  }
0x3c: {  	s0 =	rddreg [dreg:$0x0];
	s2 =	stileid.u32  }
0x3d: {  	s1 =	rddreg [dreg:$0x1];
	p0 =	sne.s32 s2, $0x0  }
0x3e: {  	s3 =	rddreg [dreg:$0x2];
	[bflag:$0x3] =	sbarrier.arrive $0xFFFF;
	s2 =	simm.s32 @!p0 $0x1C02  }
0x3f: {  	[timem:s3], [sflag:s2] =	dma.local @!p0 [hbm:s0], s1  }
0x40: {  	s0 =	simm.s32 @!p0 $0x2  }
0x41: {  	_ =	swait.ge @!p0 [sflag:s0], s1  }
0x42: {  	s1 =	ssub.s32 @!p0 $0x0, s1;
	[sflag:s0] =	ssyncset.done @!p0 $0x0  }
0x43: {  	[sflag:s0] =	ssyncadd.s32 @!p0 s1  }
0x44: {  	[bflag:$0x3] =	sbarrier.arrive $0xFFFF  }
0x45: {  	_ =	shalt  }

// kernel: sparse-core-data-format-call.cloned.1.call-start
scs
called_computation_lowered:
.L_overlay_start_0:
0x0: {  	s1 =	sld [smem:$0x3FD9]  }
0x1: {  	s2 =	sld [smem:$0x3FFE];
	_ =	sdelay $0x1  }
0x2: {  	s3 =	srdreg.scid  }
0x3: {  	s0 =	sand.u32 $0x1, s3  }
0x4: {  	s17 =	sshll.u32 s0, $0xA;
	s1 =	sadd.s32 s2, s1  }
0x5: {  	s1 =	sadd.s32 s1, s17  }
0x6: {  	[smem:$0x3FC6] =	sst s1  }
0x7: {  	_ = 	snop  }
0x8: {  	(tm) =	ssettm $0x1  }
0x9: {  	s18 =	sld [smem:$0x3FFB];
	_ =	sdelay $0x3  }
0xa: {  	_ =	strace s18  }
0xb: {  	s1 =	sld [smem:$0x3FFC];
	_ =	sdelay $0x3  }
0xc: {  	_ =	strace s1  }
0xd: {  	s1 =	sld [smem:$0x3FFD];
	_ =	sdelay $0x3  }
0xe: {  	_ =	strace s1  }
0xf: {  	_ =	strace $0x8FFFFFFF  }
0x10: {  	s19 =	sld [smem:$0x3FDB];
	_ =	sdelay $0x1  }
0x11: {  	s20 =	simm.s32 $_scs_section_size  }
0x12: {  	s4 =	simm.s32 $_size__tile_overlayer_lowered;
	s5 =	simm.s32 $_tile_overlayer_lowered  }
0x13: {  	s23 =	simm.s32 $0x1BFF;
	s22 =	sshll.u32 s5, $0x1;
	s1 =	sadd.s32 s20, s19  }
0x14: {  	s6 =	simm.s32 $0x0;
	s21 =	sshll.u32 s4, $0x1;
	s4 =	sadd.s32 s22, s1  }
0x15: {  	[timem:s6], [sflag:s23] =	dma.local [hbm:s4], s21  }
0x16: {  	_ =	swait.ge [sflag:s23], s21  }
0x17: {  	s2 =	ssub.s32 $0x0, s21;
	[sflag:s23] =	ssyncset.done $0x0  }
0x18: {  	[sflag:s23] =	ssyncadd.s32 s2;
	_ =	sdelay $0x1  }
0x19: {  	s24 =	simm.s32 $0x1B8B  }
0x1a: {  	_ =	swait.ge [sflag:s24], $0x1  }
0x1b: {  	[sflag:s24] =	ssyncset.done $0x0  }
0x1c: {  	s26 =	simm.s32 $0x1B8E;
	s25 =	sld [smem:$0x3FFE];
	[sflag:s24] =	ssyncadd.s32 $0xFFFFFFFF  }
0x1d: {  	s27 =	simm.s32 $execute0_lowered;
	[smem:$0x3FD2] =	sst s26  }
0x1e: {  	s4 =	sshll.u32 s27, $0x1;
	_ =	strace $0x80000046;
	[dreg:$0x1] =	wrdreg $0xFFFFFFFF  }
0x1f: {  	s28 =	simm.s32 $_size_execute0_lowered;
	s1 =	sadd.s32 s1, s4;
	[dreg:$0x0] =	wrdreg $0x0  }
0x20: {  	s4 =	sshll.u32 s28, $0x1;
	[dreg:$0x2] =	wrdreg s1  }
0x21: {  	[dreg:$0x3] =	wrdreg s4  }
0x22: {  	[dreg:$0x4] =	wrdreg $0xC0  }
0x23: {  	_ =	task [dreg:s6], $0x5FFFF  }
0x24: {  	[dreg:$0x1] =	wrdreg $0xFFFFFFFF  }
0x25: {  	[dreg:$0x0] =	wrdreg $0x60  }
0x26: {  	[dreg:$0x2] =	wrdreg s25  }
0x27: {  	[dreg:$0x3] =	wrdreg $0x9  }
0x28: {  	_ =	task.clear_ibuf [dreg:s6], $0x4FFFF;
	_ =	strace $0x90000046  }
0x29: {  	s29 =	simm.s32 $0x9;
	_ =	strace $0x80000048  }
0x2a: {  	_ =	swait.ge [sflag:s29], $0x1  }
0x2b: {  	[sflag:s29] =	ssyncadd.s32 $0xFFFFFFFF  }
0x2c: {  	_ =	strace $0x90000048  }
0x2d: {  	_ =	sfence  }
0x2e: {  	s30 =	sld [smem:$0x0];
	_ =	sdelay $0x2  }
0x2f: {  	s31 =	sshll.u32 s3, $0xD;
	s3 =	sshrl.u32 s3, $0x2  }
0x30: {  	s2 =	sand.u32 $0x4000, s31;
	s1 =	sadd.s32 s3, s30  }
0x31: {  	s0 =	sor.u32 s2, s0;
	s1 =	sshll.u32 s1, $0x11  }
0x32: {  	s0 =	sor.u32 s1, s0  }
0x33: {  	s0 =	sadd.s32 $0x8F2B, s0  }
0x34: {  	[sflag:s0] =	ssyncadd.remote.s32 $0x1  }
0x35: {  	_ =	sfence.sel $0xFFFF  }
0x36: {  	[dreg:$0x0] =	wrdreg $0xFFFFFFFF;
	(pc) =	sbr.abs _section_cstart, $3  }
0x37: {  	[dreg:$0x1] =	wrdreg $0xFFFFFFFF  }
0x38: {  	_ =	task.clear_ibuf [dreg:s6], $0x2FFFF;
	_ =	strace $0x9FFFFFFF  }
0x39: {  	(tm) =	ssettm $0x7FFFFFFF  }
tec
execute0_lowered:
.L_overlay_start_1:
0x0: {  	(tag) =	ssettag $0x1  }
0x1: {  	s0 =	srdreg.scid  }
0x2: {  	s1 =	sshll.u32 s0, $0x4  }
0x3: {  	s4 =	rddreg [dreg:$0x0];
	s0 =	stileid.u32;
	s1 =	sand.u32 $0x10, s1  }
0x4: {  	s7 =	simm.s32 $0x1;
	s8 =	simm.s32 $0x2;
	s1 =	sor.u32 s0, s1  }
0x5: {  	s9 =	simm.s32 $0x0;
	s12 =	simm.s32 $0x0;
	s2 =	sshll.u32 s1, $0x2  }
0x6: {  	s11 =	simm.s32 $0x0;
	s3 =	sadd.s32 $0xA00, s4;
	s6 =	ssub.s32 $0x1300, s2  }
.Ltmp0:
0x7: {  	s4 =	sadd.s32 $0x260A00, s4;
	s5 =	sand.u32 $0x7C, s6;
	(pc) =	sbr.rel .LBB1_1-.Ltmp0, $4  }
0x8: {  	s1 =	rddreg [dreg:$0x1];
	_ =	strace $0x80000047;
	p0 =	sne.s32 s5, $0x0  }
0x9: {  	s6 =	sshrl.u32 s6, $0x7;
	s5 =	simm.s32 $0x1;
	s7 =	simm.s32 @!p0 $0x0  }
0xa: {  	s10 =	smov.u32 s2;
	[sflag:s5] =	ssyncpa.u1 $0x0;
	s6 =	sadd.s32 s7, s6  }
0xb: {  	[sflag:s8] =	ssyncpa.u1 $0x0;
	s8 =	simm.s32 $0x0;
	s7 =	sadd.s32 $0x1, s6  }
.LBB1_9:
0xc: {  	s14 =	sadd.s32 $0x80, s10  }
0xd: {  	p1 =	sgt.s32 s14, $0x12FF  }
0xe: {  	s14 =	smov.u32 @p1 s2;
	p1 =	sne.s32 s11, s7  }
.Ltmp1:
0xf: {  	p0 =	slt.u32 s11, $0x2;
	(pc) =	sbr.rel @!p1 .LBB1_10-.Ltmp1, $4  }
0x10: {  	s13 =	simm.s32 @!p0 $0x2  }
0x11: {  	s15 =	sadd.s32 $0x1, s11;
	_ =	swait.ge @!p0 [sflag:s13], $0x4000  }
0x12: {  	s12 =	smov.u32 s10;
	s9 =	sadd.s32 $0x4000, s9;
	[sflag:s13] =	ssyncset.done @!p0 $0x0  }
0x13: {  	s11 =	smov.u32 s15;
	s10 =	smov.u32 s14;
	[sflag:s13] =	ssyncadd.s32 @!p0 $0xFFFFC000  }
.LBB1_1:
0x14: {  	p0 =	sge.u32 s11, s6  }
0x15: {  	s13 =	sxor.u32 @!p0 $0xFFFFFFFF, s11  }
0x16: {  	s31 =	sadd.s32 $0xFFFFFFFF, s11;
	s14 =	sshll.u32 @!p0 s10, $0x9;
	s13 =	sshll.u32 @!p0 s13, $0xE  }
0x17: {  	s15 =	simm.s32 @!p0 $0x0;
	s14 =	sadd.s32 @!p0 s3, s14;
	s13 =	sand.u32 @!p0 $0x4000, s13  }
0x18: {  	[tilespmem:s13], [sflag:$0x1] =	stream.linear.gather @!p0 [hbm4b:s14+s15], $0x4000, $0x38;
	[tilespmem:$0x10000] =	vst v63  }
0x19: {  	p0 =	sge.u32 s31, s6  }
.Ltmp2:
0x1a: {  	_ = 	snop;
	(pc) =	sbr.rel @p0 .LBB1_9-.Ltmp2, $1  }
0x1b: {  	_ =	sdelay $0x3  }
0x1c: {  	s14 =	sand.u32 $0x4000, s9  }
0x1d: {  	_ =	swait.ge [sflag:s5], $0x4000;
	s15 =	sshll.u32 s11, $0xE;
	s16 =	simm.s32 $0x0  }
0x1e: {  	s13 =	sor.u32 $0x40, s14;
	[sflag:s5] =	ssyncset.done $0x0;
	s15 =	sand.u32 $0x4000, s15  }
0x1f: {  	s14 =	sor.u32 $0x8040, s14;
	[sflag:s5] =	ssyncadd.s32 $0xFFFFC000;
	s15 =	sor.u32 $0x8000, s15  }
.LBB1_3:
0x20: {  	s17 =	smov.u32 s14;
	s18 =	smov.u32 s13;
	s19 =	simm.s32 $0x0  }
.LBB1_4:
0x21: {  	v0 =	vmov s17;
	v2 =	vld [tilespmem:s18+$0x30]  }
0x22: {  	v4 =	vld [tilespmem:s18+$0xFFFFFFD0]  }
0x23: {  	v6 =	vld [tilespmem:s18+$0xFFFFFFE0]  }
0x24: {  	v7 =	vld [tilespmem:s18+$0xFFFFFFF0]  }
0x25: {  	s20 =	simm.s32 $0x0;
	v1 =	vld [tilespmem:s18+$0x0]  }
0x26: {  	v3 =	vld [tilespmem:s18+$0x10];
	[tilespmem:v0+s20+$0x30 ss:$0x1] =	vst.idx.msk $0xffff, v2  }
0x27: {  	v5 =	vld [tilespmem:s18+$0x20];
	[tilespmem:v0+s20+$0xFFFFFFD0 ss:$0x1] =	vst.idx.msk $0xffff, v4  }
0x28: {  	s21 =	sadd.s32 $0x80, s18;
	v2 =	vld [tilespmem:s18+$0xFFFFFFC0];
	[tilespmem:v0+s20+$0xFFFFFFE0 ss:$0x1] =	vst.idx.msk $0xffff, v6  }
0x29: {  	s22 =	simm.s32 $0x800;
	s23 =	simm.s32 $0x1000;
	v4 =	vld [tilespmem:s21+$0x30];
	[tilespmem:v0+s20+$0xFFFFFFF0 ss:$0x1] =	vst.idx.msk $0xffff, v7  }
.LBB1_5:
0x2a: {  	p0 =	sne.s32 s23, $0x3800;
	v6 =	vld [tilespmem:s21+$0xFFFFFFD0];
	[tilespmem:v0+s20+$0x0 ss:$0x1] =	vst.idx.msk $0xffff, v1  }
0x2b: {  	v7 =	vld [tilespmem:s21+$0xFFFFFFE0];
	[tilespmem:v0+s20+$0x10 ss:$0x1] =	vst.idx.msk $0xffff, v3  }
0x2c: {  	v8 =	vld [tilespmem:s21+$0xFFFFFFF0];
	[tilespmem:v0+s20+$0x20 ss:$0x1] =	vst.idx.msk $0xffff, v5  }
.Ltmp3:
0x2d: {  	v1 =	vld [tilespmem:s21+$0x0];
	[tilespmem:v0+s20+$0xFFFFFFC0 ss:$0x1] =	vst.idx.msk $0xffff, v2;
	s20 =	sshra.s32 s22, $0x2;
	s22 =	smov.u32 s23;
	(pc) =	sbr.rel @p0 .LBB1_5-.Ltmp3, $4  }
0x2e: {  	v3 =	vld [tilespmem:s21+$0x10];
	[tilespmem:v0+s20+$0x30 ss:$0x1] =	vst.idx.msk $0xffff, v4  }
0x2f: {  	[tilespmem:v0+s20+$0xFFFFFFD0 ss:$0x1] =	vst.idx.msk $0xffff, v6;
	v5 =	vld [tilespmem:s21+$0x20]  }
0x30: {  	v2 =	vld [tilespmem:s21+$0xFFFFFFC0];
	[tilespmem:v0+s20+$0xFFFFFFE0 ss:$0x1] =	vst.idx.msk $0xffff, v7;
	s21 =	sadd.s32 $0x80, s21  }
0x31: {  	s23 =	sadd.s32 $0x800, s23;
	v4 =	vld [tilespmem:s21+$0x30];
	[tilespmem:v0+s20+$0xFFFFFFF0 ss:$0x1] =	vst.idx.msk $0xffff, v8  }
0x32: {  	_ =	sdelay $0x3  }
0x33: {  	v6 =	vld [tilespmem:s21+$0xFFFFFFD0];
	[tilespmem:v0+s20+$0x0 ss:$0x1] =	vst.idx.msk $0xffff, v1  }
0x34: {  	v58 =	vld [tilespmem:s21+$0xFFFFFFE0];
	[tilespmem:v0+s20+$0x10 ss:$0x1] =	vst.idx.msk $0xffff, v3  }
0x35: {  	v59 =	vld [tilespmem:s21+$0xFFFFFFF0];
	[tilespmem:v0+s20+$0x20 ss:$0x1] =	vst.idx.msk $0xffff, v5  }
0x36: {  	s22 =	sshra.s32 s22, $0x2;
	v60 =	vld [tilespmem:s21+$0x0];
	[tilespmem:v0+s20+$0xFFFFFFC0 ss:$0x1] =	vst.idx.msk $0xffff, v2  }
0x37: {  	v61 =	vld [tilespmem:s21+$0x10];
	[tilespmem:v0+s22+$0x30 ss:$0x1] =	vst.idx.msk $0xffff, v4  }
0x38: {  	v62 =	vld [tilespmem:s21+$0x20];
	s19 =	sadd.s32 $0x1, s19;
	[tilespmem:v0+s22+$0xFFFFFFD0 ss:$0x1] =	vst.idx.msk $0xffff, v6  }
0x39: {  	v63 =	vld [tilespmem:s21+$0xFFFFFFC0];
	p0 =	sne.s32 s19, $0x4;
	[tilespmem:v0+s22+$0xFFFFFFE0 ss:$0x1] =	vst.idx.msk $0xffff, v58  }
.Ltmp4:
0x3a: {  	[tilespmem:v0+s22+$0xFFFFFFF0 ss:$0x1] =	vst.idx.msk $0xffff, v59;
	(pc) =	sbr.rel @p0 .LBB1_4-.Ltmp4, $4  }
0x3b: {  	[tilespmem:v0+s22+$0x0 ss:$0x1] =	vst.idx.msk $0xffff, v60  }
0x3c: {  	[tilespmem:v0+s22+$0x10 ss:$0x1] =	vst.idx.msk $0xffff, v61  }
0x3d: {  	[tilespmem:v0+s22+$0x20 ss:$0x1] =	vst.idx.msk $0xffff, v62  }
0x3e: {  	s18 =	sadd.s32 $0x400, s18;
	s17 =	sadd.s32 $0x80, s17;
	[tilespmem:v0+s22+$0xFFFFFFC0 ss:$0x1] =	vst.idx.msk $0xffff, v63  }
0x3f: {  	s16 =	sadd.s32 $0x1, s16  }
0x40: {  	p0 =	sne.s32 s16, $0x4  }
.Ltmp5:
0x41: {  	_ = 	snop;
	(pc) =	sbr.rel @p0 .LBB1_3-.Ltmp5, $2  }
0x42: {  	_ =	sdelay $0x2  }
0x43: {  	s13 =	sadd.s32 $0x1000, s13;
	s14 =	sadd.s32 $0x1000, s14  }
.Ltmp6:
0x44: {  	(pc) =	sbr.rel .LBB1_9-.Ltmp6, $4  }
0x45: {  	_ = 	snop  }
0x46: {  	s12 =	sshll.u32 s12, $0x9  }
0x47: {  	s12 =	sadd.s32 s4, s12  }
0x48: {  	[hbm4b:s12+s8] =	stream.linear.scatter [tilespmem:s15], [sflag:$0x2], $0x4000, $0x38;
	[tilespmem:$0x10000] =	vst v63  }
.LBB1_10:
0x49: {  	_ =	sfence.sel $0x180000  }
0x4a: {  	s2 =	simm.s32 $0x1;
	[bflag:$0x0] =	sbarrier.arrive $0xFFFF  }
0x4b: {  	s31 =	simm.s32 $0x2;
	[sflag:s2] =	ssyncpa.u1 $0x1  }
0x4c: {  	[sflag:s31] =	ssyncpa.u1 $0x1  }
0x4d: {  	p0 =	sne.s32 s0, $0x0;
	_ =	strace $0x90000047  }
0x4e: {  	s0 =	sadd.s32 @!p0 $0x100000, s1;
	[bflag:$0x2] =	sbarrier.arrive $0xFFFF  }
0x4f: {  	[sflag:s0] =	ssyncadd.tile.s32 @!p0 $0x1;
	_ =	shalt  }
.Lfunc_end1:
_tile_overlayer_lowered:
.L_overlay_start_2:
0x50: {  	(tag) =	ssettag $0x2  }
0x51: {  	s0 =	rddreg [dreg:$0x0];
	s2 =	stileid.u32  }
0x52: {  	s1 =	rddreg [dreg:$0x1];
	p0 =	sne.s32 s2, $0x0  }
0x53: {  	s3 =	rddreg [dreg:$0x2];
	[bflag:$0x3] =	sbarrier.arrive $0xFFFF;
	s2 =	simm.s32 @!p0 $0x1C01  }
0x54: {  	[timem:s3], [sflag:s2] =	dma.local @!p0 [hbm:s0], s1  }
0x55: {  	s0 =	simm.s32 @!p0 $0x1  }
0x56: {  	_ =	swait.ge @!p0 [sflag:s0], s1  }
0x57: {  	s1 =	ssub.s32 @!p0 $0x0, s1;
	[sflag:s0] =	ssyncset.done @!p0 $0x0  }
0x58: {  	[sflag:s0] =	ssyncadd.s32 @!p0 s1  }
0x59: {  	[bflag:$0x3] =	sbarrier.arrive $0xFFFF  }
0x5a: {  	_ =	shalt  }

</sc_bundles>
